<compile_context>
chip_gen: v7x
topology: tpu7x:2x2x1
jax: 0.10.2.dev20260603
libtpu: 0.0.44.dev20260713+nightly
codegen_flags: <defaults>
</compile_context>

<pallas_src>
import functools

import jax
import jax.numpy as jnp
from jax import lax
from jax.experimental import pallas as pl
from jax.experimental.pallas import tpu as pltpu
from jax.experimental.pallas import tpu_sc as plsc

_H = 1024
_Q = 2
_NP = 2 ** _Q
_G = 64


def _make_sc_kernel(n_tokens):
    info = plsc.get_sparse_core_info()
    nw = info.num_cores * info.num_subcores
    tpw = n_tokens // nw
    ng = tpw // _G
    qpg = _G // _Q
    mesh = plsc.VectorSubcoreMesh(core_axis_name="c", subcore_axis_name="s")

    @functools.partial(
        pl.kernel,
        mesh=mesh,
        out_type=jax.ShapeDtypeStruct((n_tokens * _H,), jnp.float32),
        scratch_types=[
            pltpu.VMEM_SHARED((info.num_subcores, tpw), jnp.int32),
            pltpu.SMEM((tpw,), jnp.int32),
            pltpu.VMEM((2 * _H,), jnp.float32),
            pltpu.VMEM((_NP, _Q * _H), jnp.float32),
            pltpu.SemaphoreType.DMA,
        ],
    )
    def k(seg_hbm, table_hbm, out_hbm, idx_sh, seg_s, table_v, pat_v, sem):
        sid = lax.axis_index("s")
        wid = sid * info.num_cores + lax.axis_index("c")
        base = wid * tpw
        pltpu.sync_copy(seg_hbm.at[pl.ds(base, tpw)], idx_sh.at[sid])
        pltpu.sync_copy(idx_sh.at[sid], seg_s)
        pltpu.sync_copy(table_hbm, table_v)

        for p in range(_NP):
            for j in range(_Q):
                bit = (p >> (_Q - 1 - j)) & 1

                def cp(c, carry, _p=p, _dst=j * _H, _src=bit * _H):
                    pat_v[_p, pl.ds(_dst + 16 * c, 16)] = (
                        table_v[pl.ds(_src + 16 * c, 16)])
                    return carry

                lax.fori_loop(0, _H // 16, cp, 0)

        def drain_one_group():
            pltpu.make_async_copy(
                out_hbm.at[pl.ds(base * _H, _G * _H)],
                out_hbm.at[pl.ds(base * _H, _G * _H)],
                sem).wait()

        def quad(i, c):
            p = seg_s[_Q * i] * 2 + seg_s[_Q * i + 1]
            pltpu.make_async_copy(
                pat_v.at[p],
                out_hbm.at[pl.ds((base + _Q * i) * _H, _Q * _H)],
                sem).start()
            return c

        def grp(g, c):
            lax.fori_loop(g * qpg, (g + 1) * qpg, quad, 0)

            @pl.when(g > 0)
            def _():
                drain_one_group()

            return c

        lax.fori_loop(0, ng, grp, 0)
        drain_one_group()

    return k


def kernel(segments, table):
    b, s = segments.shape
    n = b * s
    out = _make_sc_kernel(n)(segments.reshape(n), table.reshape(2 * _H))
    return out.reshape(b, s, _H)

# --- scband reference (transcript-rebuilt; emitter-appended) ---
"""Pipeline reference for scband-segment-embedding-65171833749858 (READ-ONLY COPY).

The authoritative reference and input builder live on the scoring server;
editing this copy changes nothing except your own understanding.
"""

import jax, jax.numpy as jnp
import numpy as np

HIDDEN_SIZE = 1024
BATCH = 4
SEQ = 8192


def setup_inputs(seed: int = 0) -> dict:
    key = jax.random.key(seed)
    k1, k2 = jax.random.split(key)
    segments = jax.random.randint(k1, (BATCH, SEQ), 0, 2, dtype=jnp.int64 if jax.config.jax_enable_x64 else jnp.int32).astype(jnp.int32)
    table = jax.random.normal(k2, (2, HIDDEN_SIZE), dtype=jnp.float32)
    return {"segments": segments, "table": table}


def reference(segments, table):
    # nn.Embedding(2, hidden_size)(segments) -> gather rows of table
    return jnp.take(table, segments, axis=0)

if __name__ == "__main__":
    import jax
    _d = setup_inputs()
    print(jax.jit(kernel)(*tuple(_d.values())))

</pallas_src>

<mosaic_0001>
#map = affine_map<(d0, d1) -> (0)>
module attributes {stable_mosaic.version = 14 : i64} {
  func.func @k(%arg0: i32, %arg1: i32, %arg2: memref<32768xi32, #tpu.memory_space<hbm>>, %arg3: memref<2048xf32, #tpu.memory_space<hbm>>, %arg4: memref<33554432xf32, #tpu.memory_space<hbm>>, %arg5: memref<16x1024xi32, #tpu.memory_space<vmem_shared>>, %arg6: memref<1024xi32, #tpu.memory_space<smem>>, %arg7: memref<2048xf32, #tpu.memory_space<vmem>>, %arg8: memref<4x2048xf32, #tpu.memory_space<vmem>>, %arg9: memref<!tpu.dma_semaphore, #tpu.memory_space<semaphore_mem>>) attributes {dimension_semantics = [#tpu.dimension_semantics<core_parallel>, #tpu.dimension_semantics<subcore_parallel>], iteration_bounds = array<i64: 2, 16>, scalar_prefetch = 0 : i64, scratch_operands = 5 : i64, tpu.core_type = #tpu.core_type<sc_vector_subcore>, window_params = [{transform_indices = #map}, {transform_indices = #map}, {transform_indices = #map}]} {
    %mul3A = arith.constant 2 : i32
    %mul3A_0 = arith.muli %arg1, %mul3A : i32
    %add3A = arith.addi %mul3A_0, %arg0 : i32
    %mul3A_1 = arith.constant 1024 : i32
    %mul3A_2 = arith.muli %add3A, %mul3A_1 : i32
    "tpu.region"() ({
      %run_scoped3A = tpu.sem_alloc : memref<!tpu.dma_semaphore, #tpu.memory_space<semaphore_mem>>
      %dma_start3A = arith.constant 0 : i32
      %dma_start3A_61 = tpu.memref_slice %arg5[%arg1, %dma_start3A] : memref<16x1024xi32, #tpu.memory_space<vmem_shared>> -> memref<1x1024xi32, #tpu.memory_space<vmem_shared>>
      %dma_start3A_62 = tpu.memref_squeeze %dma_start3A_61 : memref<1x1024xi32, #tpu.memory_space<vmem_shared>> -> memref<1024xi32, #tpu.memory_space<vmem_shared>>
      %dma_start3A_63 = tpu.memref_slice %arg2[%mul3A_2] : memref<32768xi32, #tpu.memory_space<hbm>> -> memref<1024xi32, #tpu.memory_space<hbm>>
      tpu.enqueue_dma source(%dma_start3A_63 : memref<1024xi32, #tpu.memory_space<hbm>>) target(%dma_start3A_62 : memref<1024xi32, #tpu.memory_space<vmem_shared>>) target_semaphore(%run_scoped3A : memref<!tpu.dma_semaphore, #tpu.memory_space<semaphore_mem>>)
      %dma_wait3A_64 = arith.constant 0 : i32
      %dma_wait3A_65 = tpu.memref_slice %arg5[%arg1, %dma_wait3A_64] : memref<16x1024xi32, #tpu.memory_space<vmem_shared>> -> memref<1x1024xi32, #tpu.memory_space<vmem_shared>>
      %dma_wait3A_66 = tpu.memref_squeeze %dma_wait3A_65 : memref<1x1024xi32, #tpu.memory_space<vmem_shared>> -> memref<1024xi32, #tpu.memory_space<vmem_shared>>
      %dma_wait3A_67 = tpu.memref_slice %arg2[%mul3A_2] : memref<32768xi32, #tpu.memory_space<hbm>> -> memref<1024xi32, #tpu.memory_space<hbm>>
      tpu.wait_dma2 semaphore(%run_scoped3A : memref<!tpu.dma_semaphore, #tpu.memory_space<semaphore_mem>>) src(%dma_wait3A_67 : memref<1024xi32, #tpu.memory_space<hbm>>) dst(%dma_wait3A_66 : memref<1024xi32, #tpu.memory_space<vmem_shared>>)
      tpu.yield
    }) : () -> ()
    "tpu.region"() ({
      %run_scoped3A = tpu.sem_alloc : memref<!tpu.dma_semaphore, #tpu.memory_space<semaphore_mem>>
      %dma_start3A = arith.constant 0 : i32
      %dma_start3A_61 = tpu.memref_slice %arg5[%arg1, %dma_start3A] : memref<16x1024xi32, #tpu.memory_space<vmem_shared>> -> memref<1x1024xi32, #tpu.memory_space<vmem_shared>>
      %dma_start3A_62 = tpu.memref_squeeze %dma_start3A_61 : memref<1x1024xi32, #tpu.memory_space<vmem_shared>> -> memref<1024xi32, #tpu.memory_space<vmem_shared>>
      tpu.enqueue_dma source(%dma_start3A_62 : memref<1024xi32, #tpu.memory_space<vmem_shared>>) target(%arg6 : memref<1024xi32, #tpu.memory_space<smem>>) target_semaphore(%run_scoped3A : memref<!tpu.dma_semaphore, #tpu.memory_space<semaphore_mem>>)
      %dma_wait3A_63 = arith.constant 0 : i32
      %dma_wait3A_64 = tpu.memref_slice %arg5[%arg1, %dma_wait3A_63] : memref<16x1024xi32, #tpu.memory_space<vmem_shared>> -> memref<1x1024xi32, #tpu.memory_space<vmem_shared>>
      %dma_wait3A_65 = tpu.memref_squeeze %dma_wait3A_64 : memref<1x1024xi32, #tpu.memory_space<vmem_shared>> -> memref<1024xi32, #tpu.memory_space<vmem_shared>>
      tpu.wait_dma2 semaphore(%run_scoped3A : memref<!tpu.dma_semaphore, #tpu.memory_space<semaphore_mem>>) src(%dma_wait3A_65 : memref<1024xi32, #tpu.memory_space<vmem_shared>>) dst(%arg6 : memref<1024xi32, #tpu.memory_space<smem>>)
      tpu.yield
    }) : () -> ()
    "tpu.region"() ({
      %run_scoped3A = tpu.sem_alloc : memref<!tpu.dma_semaphore, #tpu.memory_space<semaphore_mem>>
      tpu.enqueue_dma source(%arg3 : memref<2048xf32, #tpu.memory_space<hbm>>) target(%arg7 : memref<2048xf32, #tpu.memory_space<vmem>>) target_semaphore(%run_scoped3A : memref<!tpu.dma_semaphore, #tpu.memory_space<semaphore_mem>>)
      tpu.wait_dma2 semaphore(%run_scoped3A : memref<!tpu.dma_semaphore, #tpu.memory_space<semaphore_mem>>) src(%arg3 : memref<2048xf32, #tpu.memory_space<hbm>>) dst(%arg7 : memref<2048xf32, #tpu.memory_space<vmem>>)
      tpu.yield
    }) : () -> ()
    %scan3A = arith.constant 0 : i32
    %scan3A_3 = arith.constant 0 : i32
    %scan3A_4 = arith.constant 64 : i32
    %scan3A_5 = arith.addi %scan3A_3, %scan3A_4 : i32
    %scan3A_6 = arith.constant 1 : i32
    scf.for %scan3A_61 = %scan3A_3 to %scan3A_5 step %scan3A_6  : i32 {
      %mul3A_62 = arith.constant 16 : i32
      %mul3A_63 = arith.muli %mul3A_62, %scan3A_61 : i32
      %add3A_64 = arith.constant 0 : i32
      %add3A_65 = arith.addi %add3A_64, %mul3A_63 : i32
      %get3A = arith.index_cast %add3A_65 : i32 to index
      %get3A_66 = tpu.vector_load %arg7[%get3A] {strides = array<i32>} : memref<2048xf32, #tpu.memory_space<vmem>>, vector<16xf32>,
      %get3A_67 = vector.shape_cast %get3A_66 : vector<16xf32> to vector<16xf32>
      %mul3A_68 = arith.constant 16 : i32
      %mul3A_69 = arith.muli %mul3A_68, %scan3A_61 : i32
      %add3A_70 = arith.constant 0 : i32
      %add3A_71 = arith.addi %add3A_70, %mul3A_69 : i32
      %swap3A = arith.constant 0 : i32
      %swap3A_72 = arith.index_cast %swap3A : i32 to index
      %swap3A_73 = arith.index_cast %add3A_71 : i32 to index
      %swap3A_74 = tpu.vector_load %arg8[%swap3A_72, %swap3A_73] {strides = array<i32>} : memref<4x2048xf32, #tpu.memory_space<vmem>>, vector<1x16xf32>,
      %swap3A_75 = vector.shape_cast %swap3A_74 : vector<1x16xf32> to vector<16xf32>
      %swap3A_76 = vector.shape_cast %get3A_67 : vector<16xf32> to vector<1x16xf32>
      tpu.vector_store %arg8[%swap3A_72, %swap3A_73], %swap3A_76 {strides = array<i32>} : memref<4x2048xf32, #tpu.memory_space<vmem>>, vector<1x16xf32>,
    }
    %scan3A_7 = arith.constant 64 : i32
    %scan3A_8 = arith.constant 0 : i32
    %scan3A_9 = arith.constant 0 : i32
    %scan3A_10 = arith.constant 64 : i32
    %scan3A_11 = arith.addi %scan3A_9, %scan3A_10 : i32
    %scan3A_12 = arith.constant 1 : i32
    scf.for %scan3A_61 = %scan3A_9 to %scan3A_11 step %scan3A_12  : i32 {
      %mul3A_62 = arith.constant 16 : i32
      %mul3A_63 = arith.muli %mul3A_62, %scan3A_61 : i32
      %add3A_64 = arith.constant 0 : i32
      %add3A_65 = arith.addi %add3A_64, %mul3A_63 : i32
      %get3A = arith.index_cast %add3A_65 : i32 to index
      %get3A_66 = tpu.vector_load %arg7[%get3A] {strides = array<i32>} : memref<2048xf32, #tpu.memory_space<vmem>>, vector<16xf32>,
      %get3A_67 = vector.shape_cast %get3A_66 : vector<16xf32> to vector<16xf32>
      %mul3A_68 = arith.constant 16 : i32
      %mul3A_69 = arith.muli %mul3A_68, %scan3A_61 : i32
      %add3A_70 = arith.constant 1024 : i32
      %add3A_71 = arith.addi %add3A_70, %mul3A_69 : i32
      %swap3A = arith.constant 0 : i32
      %swap3A_72 = arith.index_cast %swap3A : i32 to index
      %swap3A_73 = arith.index_cast %add3A_71 : i32 to index
      %swap3A_74 = tpu.vector_load %arg8[%swap3A_72, %swap3A_73] {strides = array<i32>} : memref<4x2048xf32, #tpu.memory_space<vmem>>, vector<1x16xf32>,
      %swap3A_75 = vector.shape_cast %swap3A_74 : vector<1x16xf32> to vector<16xf32>
      %swap3A_76 = vector.shape_cast %get3A_67 : vector<16xf32> to vector<1x16xf32>
      tpu.vector_store %arg8[%swap3A_72, %swap3A_73], %swap3A_76 {strides = array<i32>} : memref<4x2048xf32, #tpu.memory_space<vmem>>, vector<1x16xf32>,
    }
    %scan3A_13 = arith.constant 64 : i32
    %scan3A_14 = arith.constant 0 : i32
    %scan3A_15 = arith.constant 0 : i32
    %scan3A_16 = arith.constant 64 : i32
    %scan3A_17 = arith.addi %scan3A_15, %scan3A_16 : i32
    %scan3A_18 = arith.constant 1 : i32
    scf.for %scan3A_61 = %scan3A_15 to %scan3A_17 step %scan3A_18  : i32 {
      %mul3A_62 = arith.constant 16 : i32
      %mul3A_63 = arith.muli %mul3A_62, %scan3A_61 : i32
      %add3A_64 = arith.constant 0 : i32
      %add3A_65 = arith.addi %add3A_64, %mul3A_63 : i32
      %get3A = arith.index_cast %add3A_65 : i32 to index
      %get3A_66 = tpu.vector_load %arg7[%get3A] {strides = array<i32>} : memref<2048xf32, #tpu.memory_space<vmem>>, vector<16xf32>,
      %get3A_67 = vector.shape_cast %get3A_66 : vector<16xf32> to vector<16xf32>
      %mul3A_68 = arith.constant 16 : i32
      %mul3A_69 = arith.muli %mul3A_68, %scan3A_61 : i32
      %add3A_70 = arith.constant 0 : i32
      %add3A_71 = arith.addi %add3A_70, %mul3A_69 : i32
      %swap3A = arith.constant 1 : i32
      %swap3A_72 = arith.index_cast %swap3A : i32 to index
      %swap3A_73 = arith.index_cast %add3A_71 : i32 to index
      %swap3A_74 = tpu.vector_load %arg8[%swap3A_72, %swap3A_73] {strides = array<i32>} : memref<4x2048xf32, #tpu.memory_space<vmem>>, vector<1x16xf32>,
      %swap3A_75 = vector.shape_cast %swap3A_74 : vector<1x16xf32> to vector<16xf32>
      %swap3A_76 = vector.shape_cast %get3A_67 : vector<16xf32> to vector<1x16xf32>
      tpu.vector_store %arg8[%swap3A_72, %swap3A_73], %swap3A_76 {strides = array<i32>} : memref<4x2048xf32, #tpu.memory_space<vmem>>, vector<1x16xf32>,
    }
    %scan3A_19 = arith.constant 64 : i32
    %scan3A_20 = arith.constant 0 : i32
    %scan3A_21 = arith.constant 0 : i32
    %scan3A_22 = arith.constant 64 : i32
    %scan3A_23 = arith.addi %scan3A_21, %scan3A_22 : i32
    %scan3A_24 = arith.constant 1 : i32
    scf.for %scan3A_61 = %scan3A_21 to %scan3A_23 step %scan3A_24  : i32 {
      %mul3A_62 = arith.constant 16 : i32
      %mul3A_63 = arith.muli %mul3A_62, %scan3A_61 : i32
      %add3A_64 = arith.constant 1024 : i32
      %add3A_65 = arith.addi %add3A_64, %mul3A_63 : i32
      %get3A = arith.index_cast %add3A_65 : i32 to index
      %get3A_66 = tpu.vector_load %arg7[%get3A] {strides = array<i32>} : memref<2048xf32, #tpu.memory_space<vmem>>, vector<16xf32>,
      %get3A_67 = vector.shape_cast %get3A_66 : vector<16xf32> to vector<16xf32>
      %mul3A_68 = arith.constant 16 : i32
      %mul3A_69 = arith.muli %mul3A_68, %scan3A_61 : i32
      %add3A_70 = arith.constant 1024 : i32
      %add3A_71 = arith.addi %add3A_70, %mul3A_69 : i32
      %swap3A = arith.constant 1 : i32
      %swap3A_72 = arith.index_cast %swap3A : i32 to index
      %swap3A_73 = arith.index_cast %add3A_71 : i32 to index
      %swap3A_74 = tpu.vector_load %arg8[%swap3A_72, %swap3A_73] {strides = array<i32>} : memref<4x2048xf32, #tpu.memory_space<vmem>>, vector<1x16xf32>,
      %swap3A_75 = vector.shape_cast %swap3A_74 : vector<1x16xf32> to vector<16xf32>
      %swap3A_76 = vector.shape_cast %get3A_67 : vector<16xf32> to vector<1x16xf32>
      tpu.vector_store %arg8[%swap3A_72, %swap3A_73], %swap3A_76 {strides = array<i32>} : memref<4x2048xf32, #tpu.memory_space<vmem>>, vector<1x16xf32>,
    }
    %scan3A_25 = arith.constant 64 : i32
    %scan3A_26 = arith.constant 0 : i32
    %scan3A_27 = arith.constant 0 : i32
    %scan3A_28 = arith.constant 64 : i32
    %scan3A_29 = arith.addi %scan3A_27, %scan3A_28 : i32
    %scan3A_30 = arith.constant 1 : i32
    scf.for %scan3A_61 = %scan3A_27 to %scan3A_29 step %scan3A_30  : i32 {
      %mul3A_62 = arith.constant 16 : i32
      %mul3A_63 = arith.muli %mul3A_62, %scan3A_61 : i32
      %add3A_64 = arith.constant 1024 : i32
      %add3A_65 = arith.addi %add3A_64, %mul3A_63 : i32
      %get3A = arith.index_cast %add3A_65 : i32 to index
      %get3A_66 = tpu.vector_load %arg7[%get3A] {strides = array<i32>} : memref<2048xf32, #tpu.memory_space<vmem>>, vector<16xf32>,
      %get3A_67 = vector.shape_cast %get3A_66 : vector<16xf32> to vector<16xf32>
      %mul3A_68 = arith.constant 16 : i32
      %mul3A_69 = arith.muli %mul3A_68, %scan3A_61 : i32
      %add3A_70 = arith.constant 0 : i32
      %add3A_71 = arith.addi %add3A_70, %mul3A_69 : i32
      %swap3A = arith.constant 2 : i32
      %swap3A_72 = arith.index_cast %swap3A : i32 to index
      %swap3A_73 = arith.index_cast %add3A_71 : i32 to index
      %swap3A_74 = tpu.vector_load %arg8[%swap3A_72, %swap3A_73] {strides = array<i32>} : memref<4x2048xf32, #tpu.memory_space<vmem>>, vector<1x16xf32>,
      %swap3A_75 = vector.shape_cast %swap3A_74 : vector<1x16xf32> to vector<16xf32>
      %swap3A_76 = vector.shape_cast %get3A_67 : vector<16xf32> to vector<1x16xf32>
      tpu.vector_store %arg8[%swap3A_72, %swap3A_73], %swap3A_76 {strides = array<i32>} : memref<4x2048xf32, #tpu.memory_space<vmem>>, vector<1x16xf32>,
    }
    %scan3A_31 = arith.constant 64 : i32
    %scan3A_32 = arith.constant 0 : i32
    %scan3A_33 = arith.constant 0 : i32
    %scan3A_34 = arith.constant 64 : i32
    %scan3A_35 = arith.addi %scan3A_33, %scan3A_34 : i32
    %scan3A_36 = arith.constant 1 : i32
    scf.for %scan3A_61 = %scan3A_33 to %scan3A_35 step %scan3A_36  : i32 {
      %mul3A_62 = arith.constant 16 : i32
      %mul3A_63 = arith.muli %mul3A_62, %scan3A_61 : i32
      %add3A_64 = arith.constant 0 : i32
      %add3A_65 = arith.addi %add3A_64, %mul3A_63 : i32
      %get3A = arith.index_cast %add3A_65 : i32 to index
      %get3A_66 = tpu.vector_load %arg7[%get3A] {strides = array<i32>} : memref<2048xf32, #tpu.memory_space<vmem>>, vector<16xf32>,
      %get3A_67 = vector.shape_cast %get3A_66 : vector<16xf32> to vector<16xf32>
      %mul3A_68 = arith.constant 16 : i32
      %mul3A_69 = arith.muli %mul3A_68, %scan3A_61 : i32
      %add3A_70 = arith.constant 1024 : i32
      %add3A_71 = arith.addi %add3A_70, %mul3A_69 : i32
      %swap3A = arith.constant 2 : i32
      %swap3A_72 = arith.index_cast %swap3A : i32 to index
      %swap3A_73 = arith.index_cast %add3A_71 : i32 to index
      %swap3A_74 = tpu.vector_load %arg8[%swap3A_72, %swap3A_73] {strides = array<i32>} : memref<4x2048xf32, #tpu.memory_space<vmem>>, vector<1x16xf32>,
      %swap3A_75 = vector.shape_cast %swap3A_74 : vector<1x16xf32> to vector<16xf32>
      %swap3A_76 = vector.shape_cast %get3A_67 : vector<16xf32> to vector<1x16xf32>
      tpu.vector_store %arg8[%swap3A_72, %swap3A_73], %swap3A_76 {strides = array<i32>} : memref<4x2048xf32, #tpu.memory_space<vmem>>, vector<1x16xf32>,
    }
    %scan3A_37 = arith.constant 64 : i32
    %scan3A_38 = arith.constant 0 : i32
    %scan3A_39 = arith.constant 0 : i32
    %scan3A_40 = arith.constant 64 : i32
    %scan3A_41 = arith.addi %scan3A_39, %scan3A_40 : i32
    %scan3A_42 = arith.constant 1 : i32
    scf.for %scan3A_61 = %scan3A_39 to %scan3A_41 step %scan3A_42  : i32 {
      %mul3A_62 = arith.constant 16 : i32
      %mul3A_63 = arith.muli %mul3A_62, %scan3A_61 : i32
      %add3A_64 = arith.constant 1024 : i32
      %add3A_65 = arith.addi %add3A_64, %mul3A_63 : i32
      %get3A = arith.index_cast %add3A_65 : i32 to index
      %get3A_66 = tpu.vector_load %arg7[%get3A] {strides = array<i32>} : memref<2048xf32, #tpu.memory_space<vmem>>, vector<16xf32>,
      %get3A_67 = vector.shape_cast %get3A_66 : vector<16xf32> to vector<16xf32>
      %mul3A_68 = arith.constant 16 : i32
      %mul3A_69 = arith.muli %mul3A_68, %scan3A_61 : i32
      %add3A_70 = arith.constant 0 : i32
      %add3A_71 = arith.addi %add3A_70, %mul3A_69 : i32
      %swap3A = arith.constant 3 : i32
      %swap3A_72 = arith.index_cast %swap3A : i32 to index
      %swap3A_73 = arith.index_cast %add3A_71 : i32 to index
      %swap3A_74 = tpu.vector_load %arg8[%swap3A_72, %swap3A_73] {strides = array<i32>} : memref<4x2048xf32, #tpu.memory_space<vmem>>, vector<1x16xf32>,
      %swap3A_75 = vector.shape_cast %swap3A_74 : vector<1x16xf32> to vector<16xf32>
      %swap3A_76 = vector.shape_cast %get3A_67 : vector<16xf32> to vector<1x16xf32>
      tpu.vector_store %arg8[%swap3A_72, %swap3A_73], %swap3A_76 {strides = array<i32>} : memref<4x2048xf32, #tpu.memory_space<vmem>>, vector<1x16xf32>,
    }
    %scan3A_43 = arith.constant 64 : i32
    %scan3A_44 = arith.constant 0 : i32
    %scan3A_45 = arith.constant 0 : i32
    %scan3A_46 = arith.constant 64 : i32
    %scan3A_47 = arith.addi %scan3A_45, %scan3A_46 : i32
    %scan3A_48 = arith.constant 1 : i32
    scf.for %scan3A_61 = %scan3A_45 to %scan3A_47 step %scan3A_48  : i32 {
      %mul3A_62 = arith.constant 16 : i32
      %mul3A_63 = arith.muli %mul3A_62, %scan3A_61 : i32
      %add3A_64 = arith.constant 1024 : i32
      %add3A_65 = arith.addi %add3A_64, %mul3A_63 : i32
      %get3A = arith.index_cast %add3A_65 : i32 to index
      %get3A_66 = tpu.vector_load %arg7[%get3A] {strides = array<i32>} : memref<2048xf32, #tpu.memory_space<vmem>>, vector<16xf32>,
      %get3A_67 = vector.shape_cast %get3A_66 : vector<16xf32> to vector<16xf32>
      %mul3A_68 = arith.constant 16 : i32
      %mul3A_69 = arith.muli %mul3A_68, %scan3A_61 : i32
      %add3A_70 = arith.constant 1024 : i32
      %add3A_71 = arith.addi %add3A_70, %mul3A_69 : i32
      %swap3A = arith.constant 3 : i32
      %swap3A_72 = arith.index_cast %swap3A : i32 to index
      %swap3A_73 = arith.index_cast %add3A_71 : i32 to index
      %swap3A_74 = tpu.vector_load %arg8[%swap3A_72, %swap3A_73] {strides = array<i32>} : memref<4x2048xf32, #tpu.memory_space<vmem>>, vector<1x16xf32>,
      %swap3A_75 = vector.shape_cast %swap3A_74 : vector<1x16xf32> to vector<16xf32>
      %swap3A_76 = vector.shape_cast %get3A_67 : vector<16xf32> to vector<1x16xf32>
      tpu.vector_store %arg8[%swap3A_72, %swap3A_73], %swap3A_76 {strides = array<i32>} : memref<4x2048xf32, #tpu.memory_space<vmem>>, vector<1x16xf32>,
    }
    %scan3A_49 = arith.constant 64 : i32
    %scan3A_50 = arith.constant 0 : i32
    %scan3A_51 = arith.constant 0 : i32
    %scan3A_52 = arith.constant 16 : i32
    %scan3A_53 = arith.addi %scan3A_51, %scan3A_52 : i32
    %scan3A_54 = arith.constant 1 : i32
    scf.for %scan3A_61 = %scan3A_51 to %scan3A_53 step %scan3A_54  : i32 {
      %mul3A_62 = arith.constant 32 : i32
      %mul3A_63 = arith.muli %scan3A_61, %mul3A_62 : i32
      %add3A_64 = arith.constant 1 : i32
      %add3A_65 = arith.addi %scan3A_61, %add3A_64 : i32
      %mul3A_66 = arith.constant 32 : i32
      %mul3A_67 = arith.muli %add3A_65, %mul3A_66 : i32
      %while3A = arith.constant 0 : i32
      %while3A_68 = arith.subi %mul3A_67, %mul3A_63 : i32
      %while3A_69 = arith.addi %mul3A_63, %while3A_68 : i32
      %while3A_70 = arith.constant 1 : i32
      %while3A_71 = arith.divsi %while3A_68, %while3A_70 : i32
      %while3A_72 = arith.muli %while3A_71, %while3A_70 : i32
      %while3A_73 = arith.addi %mul3A_63, %while3A_72 : i32
      %while3A_74 = arith.constant 1 : i32
      scf.for %while3A_78 = %mul3A_63 to %while3A_73 step %while3A_74  : i32 {
        %mul3A_79 = arith.constant 2 : i32
        %mul3A_80 = arith.muli %mul3A_79, %while3A_78 : i32
        %get3A = arith.index_cast %mul3A_80 : i32 to index
        %get3A_81 = memref.load %arg6[%get3A] : memref<1024xi32, #tpu.memory_space<smem>>
        %mul3A_82 = arith.constant 2 : i32
        %mul3A_83 = arith.muli %get3A_81, %mul3A_82 : i32
        %mul3A_84 = arith.constant 2 : i32
        %mul3A_85 = arith.muli %mul3A_84, %while3A_78 : i32
        %add3A_86 = arith.constant 1 : i32
        %add3A_87 = arith.addi %mul3A_85, %add3A_86 : i32
        %get3A_88 = arith.index_cast %add3A_87 : i32 to index
        %get3A_89 = memref.load %arg6[%get3A_88] : memref<1024xi32, #tpu.memory_space<smem>>
        %add3A_90 = arith.addi %mul3A_83, %get3A_89 : i32
        %mul3A_91 = arith.constant 2 : i32
        %mul3A_92 = arith.muli %mul3A_91, %while3A_78 : i32
        %add3A_93 = arith.addi %mul3A_2, %mul3A_92 : i32
        %mul3A_94 = arith.constant 1024 : i32
        %mul3A_95 = arith.muli %add3A_93, %mul3A_94 : i32
        %dma_start3A = arith.constant 0 : i32
        %dma_start3A_96 = tpu.memref_slice %arg8[%add3A_90, %dma_start3A] : memref<4x2048xf32, #tpu.memory_space<vmem>> -> memref<1x2048xf32, #tpu.memory_space<vmem>>
        %dma_start3A_97 = tpu.memref_squeeze %dma_start3A_96 : memref<1x2048xf32, #tpu.memory_space<vmem>> -> memref<2048xf32, #tpu.memory_space<vmem>>
        %dma_start3A_98 = tpu.memref_slice %arg4[%mul3A_95] : memref<33554432xf32, #tpu.memory_space<hbm>> -> memref<2048xf32, #tpu.memory_space<hbm>>
        %dma_start3A_99 = tpu.memref_slice %arg4[%mul3A_95] : memref<33554432xf32, #tpu.memory_space<hbm>> -> memref<2048xf32, #tpu.memory_space<hbm>>
        %dma_start3A_100 = arith.constant 0 : i32
        %dma_start3A_101 = tpu.memref_slice %arg8[%add3A_90, %dma_start3A_100] : memref<4x2048xf32, #tpu.memory_space<vmem>> -> memref<1x2048xf32, #tpu.memory_space<vmem>>
        %dma_start3A_102 = tpu.memref_squeeze %dma_start3A_101 : memref<1x2048xf32, #tpu.memory_space<vmem>> -> memref<2048xf32, #tpu.memory_space<vmem>>
        tpu.enqueue_dma source(%dma_start3A_102 : memref<2048xf32, #tpu.memory_space<vmem>>) target(%dma_start3A_99 : memref<2048xf32, #tpu.memory_space<hbm>>) target_semaphore(%arg9 : memref<!tpu.dma_semaphore, #tpu.memory_space<semaphore_mem>>)
      }
      %while3A_75 = arith.constant 1 : i32
      scf.for %while3A_78 = %while3A_73 to %while3A_69 step %while3A_75  : i32 {
        %mul3A_79 = arith.constant 2 : i32
        %mul3A_80 = arith.muli %mul3A_79, %while3A_78 : i32
        %get3A = arith.index_cast %mul3A_80 : i32 to index
        %get3A_81 = memref.load %arg6[%get3A] : memref<1024xi32, #tpu.memory_space<smem>>
        %mul3A_82 = arith.constant 2 : i32
        %mul3A_83 = arith.muli %get3A_81, %mul3A_82 : i32
        %mul3A_84 = arith.constant 2 : i32
        %mul3A_85 = arith.muli %mul3A_84, %while3A_78 : i32
        %add3A_86 = arith.constant 1 : i32
        %add3A_87 = arith.addi %mul3A_85, %add3A_86 : i32
        %get3A_88 = arith.index_cast %add3A_87 : i32 to index
        %get3A_89 = memref.load %arg6[%get3A_88] : memref<1024xi32, #tpu.memory_space<smem>>
        %add3A_90 = arith.addi %mul3A_83, %get3A_89 : i32
        %mul3A_91 = arith.constant 2 : i32
        %mul3A_92 = arith.muli %mul3A_91, %while3A_78 : i32
        %add3A_93 = arith.addi %mul3A_2, %mul3A_92 : i32
        %mul3A_94 = arith.constant 1024 : i32
        %mul3A_95 = arith.muli %add3A_93, %mul3A_94 : i32
        %dma_start3A = arith.constant 0 : i32
        %dma_start3A_96 = tpu.memref_slice %arg8[%add3A_90, %dma_start3A] : memref<4x2048xf32, #tpu.memory_space<vmem>> -> memref<1x2048xf32, #tpu.memory_space<vmem>>
        %dma_start3A_97 = tpu.memref_squeeze %dma_start3A_96 : memref<1x2048xf32, #tpu.memory_space<vmem>> -> memref<2048xf32, #tpu.memory_space<vmem>>
        %dma_start3A_98 = tpu.memref_slice %arg4[%mul3A_95] : memref<33554432xf32, #tpu.memory_space<hbm>> -> memref<2048xf32, #tpu.memory_space<hbm>>
        %dma_start3A_99 = tpu.memref_slice %arg4[%mul3A_95] : memref<33554432xf32, #tpu.memory_space<hbm>> -> memref<2048xf32, #tpu.memory_space<hbm>>
        %dma_start3A_100 = arith.constant 0 : i32
        %dma_start3A_101 = tpu.memref_slice %arg8[%add3A_90, %dma_start3A_100] : memref<4x2048xf32, #tpu.memory_space<vmem>> -> memref<1x2048xf32, #tpu.memory_space<vmem>>
        %dma_start3A_102 = tpu.memref_squeeze %dma_start3A_101 : memref<1x2048xf32, #tpu.memory_space<vmem>> -> memref<2048xf32, #tpu.memory_space<vmem>>
        tpu.enqueue_dma source(%dma_start3A_102 : memref<2048xf32, #tpu.memory_space<vmem>>) target(%dma_start3A_99 : memref<2048xf32, #tpu.memory_space<hbm>>) target_semaphore(%arg9 : memref<!tpu.dma_semaphore, #tpu.memory_space<semaphore_mem>>)
      }
      %gt3A = arith.constant 0 : i32
      %gt3A_76 = arith.cmpi sgt, %scan3A_61, %gt3A : i32
      %convert_element_type3A = arith.extui %gt3A_76 : i1 to i32
      %cond3A = arith.constant 0 : i32
      %cond3A_77 = arith.cmpi ne, %convert_element_type3A, %cond3A : i32
      scf.if %cond3A_77 {
        %mul3A_78 = arith.constant 1024 : i32
        %mul3A_79 = arith.muli %mul3A_2, %mul3A_78 : i32
        %mul3A_80 = arith.constant 1024 : i32
        %mul3A_81 = arith.muli %mul3A_2, %mul3A_80 : i32
        %dma_wait3A_82 = tpu.memref_slice %arg4[%mul3A_81] : memref<33554432xf32, #tpu.memory_space<hbm>> -> memref<65536xf32, #tpu.memory_space<hbm>>
        %dma_wait3A_83 = tpu.memref_slice %arg4[%mul3A_79] : memref<33554432xf32, #tpu.memory_space<hbm>> -> memref<65536xf32, #tpu.memory_space<hbm>>
        tpu.wait_dma2 semaphore(%arg9 : memref<!tpu.dma_semaphore, #tpu.memory_space<semaphore_mem>>) src(%dma_wait3A_83 : memref<65536xf32, #tpu.memory_space<hbm>>) dst(%dma_wait3A_82 : memref<65536xf32, #tpu.memory_space<hbm>>)
      } else {
      }
    }
    %scan3A_55 = arith.constant 16 : i32
    %mul3A_56 = arith.constant 1024 : i32
    %mul3A_57 = arith.muli %mul3A_2, %mul3A_56 : i32
    %mul3A_58 = arith.constant 1024 : i32
    %mul3A_59 = arith.muli %mul3A_2, %mul3A_58 : i32
    %dma_wait3A = tpu.memref_slice %arg4[%mul3A_59] : memref<33554432xf32, #tpu.memory_space<hbm>> -> memref<65536xf32, #tpu.memory_space<hbm>>
    %dma_wait3A_60 = tpu.memref_slice %arg4[%mul3A_57] : memref<33554432xf32, #tpu.memory_space<hbm>> -> memref<65536xf32, #tpu.memory_space<hbm>>
    tpu.wait_dma2 semaphore(%arg9 : memref<!tpu.dma_semaphore, #tpu.memory_space<semaphore_mem>>) src(%dma_wait3A_60 : memref<65536xf32, #tpu.memory_space<hbm>>) dst(%dma_wait3A : memref<65536xf32, #tpu.memory_space<hbm>>)
    return
  }
}

</mosaic_0001>

<sc_bundles>
// kernel: kernel.3.cloned.1.call-start
scs
__scs_entry_jumppad:
0x0: {  	(pc) =	sbr.rel $0x88, $3  }
0x1: {  	(tag) =	ssettag $0x0;
	lr =	simm.s32 $0x1  }
0x2: {  	[smem:$0x3F9F] =	sst lr;
	_ =	strace $0xD0000000  }
0x3: {  	_ = 	snop  }
0x4: {  	_ = 	snop  }
0x5: {  	_ = 	snop  }
0x6: {  	_ = 	snop  }
0x7: {  	_ = 	snop  }
__scs_overlays_trampoline_lowered:
0x8: {  	[smem:$0x3FAE] =	sst s0  }
0x9: {  	[smem:$0x3FAF] =	sst s1  }
0xa: {  	[smem:$0x3FB0] =	sst s2  }
0xb: {  	[smem:$0x3FB1] =	sst s3  }
0xc: {  	[smem:$0x3FB2] =	sst s4  }
0xd: {  	[smem:$0x3FB3] =	sst s5  }
0xe: {  	[smem:$0x3FB4] =	sst s6  }
0xf: {  	[smem:$0x3FB5] =	sst s7  }
0x10: {  	[smem:$0x3FB6] =	sst s8  }
0x11: {  	[smem:$0x3FB7] =	sst s9;
	s0 =	simm.s32 @!p0 $0x0  }
0x12: {  	s1 =	sld [smem:$0x3F9D];
	s0 =	simm.s32 @p0 $0x1  }
0x13: {  	[smem:$0x3FB8] =	sst s0;
	s0 =	simm.s32 @!p1 $0x0  }
0x14: {  	s2 =	sld [smem:$0x3F9C];
	s0 =	simm.s32 @p1 $0x1  }
0x15: {  	[smem:$0x3FB9] =	sst s0;
	s0 =	simm.s32 @!p2 $0x0  }
0x16: {  	s3 =	sld [smem:$0x3FDB];
	s0 =	simm.s32 @p2 $0x1  }
0x17: {  	s4 =	simm.s32 $0x1BF5;
	[smem:$0x3FBB] =	sst s0  }
0x18: {  	s0 =	sld [smem:$0x3F9E];
	_ =	swait.ge [sflag:s4], $0x0  }
0x19: {  	s7 =	sld [smem:$0x3F9F]  }
0x1a: {  	s8 =	sadd.s32 $0xFFFFE003, lr  }
0x1b: {  	s9 =	sadd.s32 $0xFFFFFEF7, lr;
	s5 =	simm.s32 $0xFFFFFFFF;
	p2 =	slt.u32 s8, $0xFFFFF086  }
0x1c: {  	p1 =	slt.u32 s9, $0xF7A;
	s5 =	simm.s32 @!p2 $0x0  }
0x1d: {  	s5 =	simm.s32 @p1 $0x1;
	p0 =	seq.s32 s7, s2  }
0x1e: {  	s7 =	smul.u32 @!p0 $0xF7A, s2;
	p2 =	seq.s32 @!p0 s5, $0x0  }
0x1f: {  	s9 =	smul.u32 $0xF7A, s1;
	s8 =	simm.s32 @!p0 $0x1BF5;
	p2 =	por !p2, p0  }
0x20: {  	[sflag:s8] =	ssyncset.s32 @!p0 $0xFFFFF086;
	s6 =	sadd.s32 @!p0 s3, s7;
	s7 =	simm.s32 @!p0 $0x108  }
0x21: {  	s3 =	sadd.s32 s3, s9;
	s6 =	sadd.s32 @!p0 $0x88, s6;
	s7 =	simm.s32 @p2 $0x1082  }
0x22: {  	[simem:s7], [sflag:s8] =	dma.local @!p0 [hbm:s6], $0xF7A  }
0x23: {  	s9 =	sor.u32 $0xD0000000, s2;
	s6 =	simm.s32 $0x108;
	_ =	swait.ge @!p0 [sflag:s8], $0x0  }
0x24: {  	s3 =	sadd.s32 $0x88, s3;
	s6 =	simm.s32 @!p1 $0x1082;
	[sflag:s4] =	ssyncset.s32 $0xFFFFF086  }
0x25: {  	[simem:s6], [sflag:s4] =	dma.local [hbm:s3], $0xF7A  }
0x26: {  	[smem:$0x3F9F] =	sst s1;
	(tag) =	ssettag s2;
	_ =	strace s9  }
0x27: {  	s1 =	sld [smem:$0x3FAF]  }
0x28: {  	s2 =	sld [smem:$0x3FB0]  }
0x29: {  	s4 =	sld [smem:$0x3FB2]  }
0x2a: {  	p0 =	seq.s32 s5, $0x0;
	s5 =	sld [smem:$0x3FB3]  }
0x2b: {  	s6 =	sld [smem:$0x3FB4]  }
0x2c: {  	s7 =	sld [smem:$0x3FB5]  }
0x2d: {  	s3 =	simm.s32 $0x108;
	s8 =	sld [smem:$0x3FB6]  }
0x2e: {  	s3 =	simm.s32 @!p0 $0x1082;
	s9 =	sld [smem:$0x3FB7]  }
0x2f: {  	lr =	sadd.s32 s0, s3;
	s0 =	sld [smem:$0x3FAE]  }
0x30: {  	s3 =	sld [smem:$0x3FB1]  }
0x31: {  	[smem:$0x3FBA] =	sst s10  }
0x32: {  	s10 =	sld [smem:$0x3FB8];
	_ =	sdelay $0x3  }
0x33: {  	p0 =	seq.s32 s10, $0x1;
	s10 =	sld [smem:$0x3FBA];
	_ =	sdelay $0x3  }
0x34: {  	[smem:$0x3FBA] =	sst s10  }
0x35: {  	s10 =	sld [smem:$0x3FB9];
	_ =	sdelay $0x3  }
0x36: {  	p1 =	seq.s32 s10, $0x1;
	s10 =	sld [smem:$0x3FBA];
	_ =	sdelay $0x3  }
0x37: {  	[smem:$0x3FBA] =	sst s10  }
0x38: {  	s10 =	sld [smem:$0x3FBB]  }
0x39: {  	_ = 	snop;
	(pc) =	sbr.ind lr, $3  }
0x3a: {  	_ = 	snop  }
0x3b: {  	_ = 	snop  }
0x3c: {  	p2 =	seq.s32 s10, $0x1;
	s10 =	sld [smem:$0x3FBA]  }
0x3d: {  	_ =	shalt  }
0x3e: {  	_ =	shalt  }
0x3f: {  	_ =	shalt  }
0x40: {  	_ =	shalt  }
0x41: {  	_ =	shalt  }
0x42: {  	_ =	shalt  }
0x43: {  	_ =	shalt  }
0x44: {  	_ =	shalt  }
0x45: {  	_ =	shalt  }
0x46: {  	_ =	shalt  }
0x47: {  	_ =	shalt  }
0x48: {  	_ =	shalt  }
0x49: {  	_ =	shalt  }
0x4a: {  	_ =	shalt  }
0x4b: {  	_ =	shalt  }
0x4c: {  	_ =	shalt  }
0x4d: {  	_ =	shalt  }
0x4e: {  	_ =	shalt  }
0x4f: {  	_ =	shalt  }
0x50: {  	_ =	shalt  }
0x51: {  	_ =	shalt  }
0x52: {  	_ =	shalt  }
0x53: {  	_ =	shalt  }
0x54: {  	_ =	shalt  }
0x55: {  	_ =	shalt  }
0x56: {  	_ =	shalt  }
0x57: {  	_ =	shalt  }
0x58: {  	_ =	shalt  }
0x59: {  	_ =	shalt  }
0x5a: {  	_ =	shalt  }
0x5b: {  	_ =	shalt  }
0x5c: {  	_ =	shalt  }
0x5d: {  	_ =	shalt  }
0x5e: {  	_ =	shalt  }
0x5f: {  	_ =	shalt  }
0x60: {  	_ =	shalt  }
0x61: {  	_ =	shalt  }
0x62: {  	_ =	shalt  }
0x63: {  	_ =	shalt  }
0x64: {  	_ =	shalt  }
0x65: {  	_ =	shalt  }
0x66: {  	_ =	shalt  }
0x67: {  	_ =	shalt  }
0x68: {  	_ =	shalt  }
0x69: {  	_ =	shalt  }
0x6a: {  	_ =	shalt  }
0x6b: {  	_ =	shalt  }
0x6c: {  	_ =	shalt  }
0x6d: {  	_ =	shalt  }
0x6e: {  	_ =	shalt  }
0x6f: {  	_ =	shalt  }
0x70: {  	_ =	shalt  }
0x71: {  	_ =	shalt  }
0x72: {  	_ =	shalt  }
0x73: {  	_ =	shalt  }
0x74: {  	_ =	shalt  }
0x75: {  	_ =	shalt  }
0x76: {  	_ =	shalt  }
0x77: {  	_ =	shalt  }
0x78: {  	_ =	shalt  }
0x79: {  	_ =	shalt  }
0x7a: {  	_ =	shalt  }
0x7b: {  	_ =	shalt  }
0x7c: {  	_ =	shalt  }
0x7d: {  	_ =	shalt  }
0x7e: {  	_ =	shalt  }
0x7f: {  	_ =	shalt  }
0x80: {  	_ =	shalt  }
0x81: {  	_ =	shalt  }
0x82: {  	_ =	shalt  }
0x83: {  	_ =	shalt  }
0x84: {  	_ =	shalt  }
0x85: {  	_ =	shalt  }
0x86: {  	_ =	shalt  }
0x87: {  	_ =	shalt  }
.Lfunc_end0:
.L_simem_size_0:
called_computation_lowered:
.L_overlay_start_0:
0x88: {  	s2 =	sld [smem:$0x3FD9]  }
0x89: {  	s3 =	sld [smem:$0x3FFE];
	_ =	sdelay $0x1  }
0x8a: {  	s1 =	srdreg.scid  }
0x8b: {  	s0 =	sand.u32 $0x1, s1  }
0x8c: {  	s17 =	sshll.u32 s0, $0xA;
	s2 =	sadd.s32 s3, s2  }
0x8d: {  	s2 =	sadd.s32 s2, s17  }
0x8e: {  	[smem:$0x3FC6] =	sst s2  }
0x8f: {  	_ = 	snop  }
0x90: {  	s2 =	sld [smem:$0x3FD0];
	(tm) =	ssettm $0x1  }
0x91: {  	s18 =	sld [smem:$0x3FFB];
	_ =	sdelay $0x3  }
0x92: {  	_ =	strace s18  }
0x93: {  	s3 =	sld [smem:$0x3FFC];
	_ =	sdelay $0x3  }
0x94: {  	_ =	strace s3  }
0x95: {  	s3 =	sld [smem:$0x3FFD];
	_ =	sdelay $0x3  }
0x96: {  	_ =	strace s3  }
0x97: {  	_ =	strace $0x8FFFFFFF  }
0x98: {  	s19 =	sld [smem:$0x3FDB];
	_ =	sdelay $0x1  }
0x99: {  	s4 =	simm.s32 $_scs_section_size  }
0x9a: {  	s5 =	simm.s32 $_size__tile_overlayer_lowered;
	s6 =	simm.s32 $_tile_overlayer_lowered  }
0x9b: {  	s22 =	simm.s32 $0x1BFF;
	s21 =	sshll.u32 s6, $0x1;
	s3 =	sadd.s32 s4, s19  }
0x9c: {  	s7 =	simm.s32 $0x0;
	s20 =	sshll.u32 s5, $0x1;
	s5 =	sadd.s32 s21, s3  }
0x9d: {  	[timem:s7], [sflag:s22] =	dma.local [hbm:s5], s20  }
0x9e: {  	_ =	swait.ge [sflag:s22], s20  }
0x9f: {  	s4 =	ssub.s32 $0x0, s20;
	[sflag:s22] =	ssyncset.done $0x0  }
0xa0: {  	[sflag:s22] =	ssyncadd.s32 s4;
	_ =	sdelay $0x1  }
0xa1: {  	s23 =	simm.s32 $0x1B8B  }
0xa2: {  	_ =	swait.ge [sflag:s23], $0x1  }
0xa3: {  	[sflag:s23] =	ssyncset.done $0x0  }
0xa4: {  	s25 =	simm.s32 $0x1B8E;
	s24 =	sld [smem:$0x3FFE];
	[sflag:s23] =	ssyncadd.s32 $0xFFFFFFFF  }
0xa5: {  	s26 =	simm.s32 $execute0_lowered;
	[smem:$0x3FD2] =	sst s25  }
0xa6: {  	s5 =	sshll.u32 s26, $0x1;
	_ =	strace $0x80000046;
	[dreg:$0x1] =	wrdreg $0xFFFFFFFF  }
0xa7: {  	s28 =	simm.s32 $_size_execute0_lowered;
	s3 =	sadd.s32 s3, s5;
	[dreg:$0x0] =	wrdreg $0x0  }
0xa8: {  	s5 =	sshll.u32 s28, $0x1;
	[dreg:$0x2] =	wrdreg s3  }
0xa9: {  	[dreg:$0x3] =	wrdreg s5  }
0xaa: {  	[dreg:$0x4] =	wrdreg $0xC0  }
0xab: {  	_ =	task [dreg:s7], $0x5FFFF  }
0xac: {  	[dreg:$0x1] =	wrdreg $0xFFFFFFFF  }
0xad: {  	[dreg:$0x0] =	wrdreg $0x60  }
0xae: {  	[dreg:$0x2] =	wrdreg s2  }
0xaf: {  	[dreg:$0x3] =	wrdreg s24  }
0xb0: {  	[dreg:$0x4] =	wrdreg $0x0  }
0xb1: {  	[dreg:$0x5] =	wrdreg $0x9  }
0xb2: {  	_ =	task.clear_ibuf [dreg:s7], $0x6FFFF;
	_ =	strace $0x90000046  }
0xb3: {  	s29 =	simm.s32 $0x9;
	_ =	strace $0x80000048  }
0xb4: {  	_ =	swait.ge [sflag:s29], $0x1  }
0xb5: {  	[sflag:s29] =	ssyncadd.s32 $0xFFFFFFFF  }
0xb6: {  	_ =	strace $0x90000048  }
0xb7: {  	_ =	sfence  }
0xb8: {  	s30 =	sld [smem:$0x0];
	_ =	sdelay $0x2  }
0xb9: {  	s31 =	sshll.u32 s1, $0xD;
	s1 =	sshrl.u32 s1, $0x2  }
0xba: {  	s3 =	sand.u32 $0x4000, s31;
	s1 =	sadd.s32 s1, s30  }
0xbb: {  	s0 =	sor.u32 s3, s0;
	s1 =	sshll.u32 s1, $0x11  }
0xbc: {  	s0 =	sor.u32 s1, s0  }
0xbd: {  	s0 =	sadd.s32 $0x8F2B, s0  }
0xbe: {  	[sflag:s0] =	ssyncadd.remote.s32 $0x1  }
0xbf: {  	_ =	sfence.sel $0xFFFF  }
0xc0: {  	[dreg:$0x0] =	wrdreg $0xFFFFFFFF;
	(pc) =	sbr.abs _section_cstart, $3  }
0xc1: {  	[dreg:$0x1] =	wrdreg $0xFFFFFFFF  }
0xc2: {  	_ =	task.clear_ibuf [dreg:s7], $0x2FFFF;
	_ =	strace $0x9FFFFFFF  }
0xc3: {  	(tm) =	ssettm $0x7FFFFFFF  }
tec
execute0_lowered:
.L_overlay_start_1:
0x0: {  	(tag) =	ssettag $0x1  }
0x1: {  	s0 =	rddreg [dreg:$0x0]  }
0x2: {  	s2 =	rddreg [dreg:$0x1]  }
0x3: {  	s3 =	rddreg [dreg:$0x2]  }
0x4: {  	s1 =	simm.s32 $0x0;
	s4 =	srdreg.scid;
	s10 =	stileid.u32  }
0x5: {  	s29 =	simm.s32 $0x0;
	[smem:$0x7FF] =	sst s1;
	s5 =	sand.u32 $0x1, s4  }
0x6: {  	s6 =	sadd.s32 $0x400, s2;
	s16 =	sshll.u32 s10, $0x12;
	s18 =	sshll.u32 s10, $0xB  }
0x7: {  	s8 =	sshll.u32 s10, $0xA;
	s9 =	sshll.u32 s10, $0x7;
	s23 =	sshll.u32 s10, $0x6  }
0x8: {  	_ =	strace $0x80000047;
	s4 =	ssub.s32 $0x2, s5;
	[dreg:$0x4] =	wrdreg s6  }
0x9: {  	s2 =	sadd.s32 s16, s2;
	s19 =	sshll.u32 s5, $0xA;
	s20 =	sand.u32 $0x2000, s8  }
0xa: {  	s21 =	sand.u32 $0x380, s9;
	s24 =	sor.u32 $0x1C02, s23;
	s31 =	sshll.u32 s5, $0x11  }
0xb: {  	s7 =	sshrl.u32 s4, $0x1;
	s3 =	sadd.s32 s20, s3;
	[dreg:$0x6] =	wrdreg s24  }
0xc: {  	s20 =	simm.s32 $0x2;
	s17 =	ssub.s32 s4, s7;
	s4 =	sor.u32 s19, s18  }
0xd: {  	s18 =	simm.s32 $0x80;
	s22 =	sshrl.u32 s4, $0x3;
	s4 =	sadd.s32 s21, s3  }
0xe: {  	s25 =	smax.u32 s17, $0x1;
	s17 =	simm.s32 $0x1;
	s0 =	sadd.s32 s0, s22  }
0xf: {  	[dreg:$0x7] =	wrdreg s25;
	s26 =	sadd.s32 $0x400, s4;
	s28 =	sadd.s32 $0x800, s4  }
0x10: {  	s30 =	sadd.s32 $0xC00, s4;
	s11 =	sadd.s32 $0x1000, s4;
	[dreg:$0x5] =	wrdreg s0  }
0x11: {  	s12 =	sadd.s32 $0x1400, s4;
	s13 =	sadd.s32 $0x1800, s4;
	[dreg:$0x8] =	wrdreg s26  }
0x12: {  	s14 =	sadd.s32 $0x1C00, s4;
	[dreg:$0x9] =	wrdreg s28;
	s0 =	sadd.s32 s31, s2  }
0x13: {  	s16 =	sshrl.u32 s4, $0x3;
	[dreg:$0xa] =	wrdreg s30;
	s15 =	sadd.s32 $0x600, s0  }
.LBB2_1:
0x14: {  	s0 =	rddreg [dreg:$0x5]  }
0x15: {  	s2 =	rddreg [dreg:$0x6];
	s3 =	simm.s32 $0x10  }
0x16: {  	[spmem:s16@s18], [sflag:s2] =	dma.strided [hbm:s0@s3], $0x80, s17, $0x10   }
0x17: {  	_ =	swait.ge [sflag:s20], $0x80  }
0x18: {  	[sflag:s20] =	ssyncset.done $0x0  }
0x19: {  	[sflag:s20] =	ssyncadd.s32 $0xFFFFFF80  }
0x1a: {  	[smem:s1], [sflag:$0x2] =	stream.linear.gather [spmem:s4], $0x80, $0x38;
	[tilespmem:$0x2C00] =	vst v63  }
0x1b: {  	s9 =	rddreg [dreg:$0x8]  }
0x1c: {  	[smem:s18], [sflag:$0x2] =	stream.linear.gather [spmem:s9], $0x80, $0x38;
	[tilespmem:$0x2C00] =	vst v63  }
0x1d: {  	s10 =	simm.s32 $0x100;
	s0 =	rddreg [dreg:$0x9]  }
0x1e: {  	[smem:s10], [sflag:$0x2] =	stream.linear.gather [spmem:s0], $0x80, $0x38;
	[tilespmem:$0x2C00] =	vst v63  }
0x1f: {  	s19 =	simm.s32 $0x180;
	s0 =	rddreg [dreg:$0xa]  }
0x20: {  	[smem:s19], [sflag:$0x2] =	stream.linear.gather [spmem:s0], $0x80, $0x38;
	[tilespmem:$0x2C00] =	vst v63  }
0x21: {  	s21 =	simm.s32 $0x200  }
0x22: {  	[smem:s21], [sflag:$0x2] =	stream.linear.gather [spmem:s11], $0x80, $0x38;
	[tilespmem:$0x2C00] =	vst v63  }
0x23: {  	s22 =	simm.s32 $0x280  }
0x24: {  	[smem:s22], [sflag:$0x2] =	stream.linear.gather [spmem:s12], $0x80, $0x38;
	[tilespmem:$0x2C00] =	vst v63  }
0x25: {  	s23 =	simm.s32 $0x300  }
0x26: {  	[smem:s23], [sflag:$0x2] =	stream.linear.gather [spmem:s13], $0x80, $0x38;
	[tilespmem:$0x2C00] =	vst v63  }
0x27: {  	s24 =	simm.s32 $0x380  }
0x28: {  	[smem:s24], [sflag:$0x2] =	stream.linear.gather [spmem:s14], $0x80, $0x38;
	[tilespmem:$0x2C00] =	vst v63  }
0x29: {  	_ =	swait.ge [sflag:s20], $0x400  }
0x2a: {  	[sflag:s20] =	ssyncset.done $0x0  }
0x2b: {  	s26 =	simm.s32 $0x400;
	s25 =	rddreg [dreg:$0x4];
	[sflag:s20] =	ssyncadd.s32 $0xFFFFFC00  }
0x2c: {  	[tilespmem:s26], [sflag:$0x2] =	stream.linear.gather [hbm4b:s25+s1], $0x800, $0x38;
	[tilespmem:$0x2C00] =	vst v63  }
0x2d: {  	_ =	swait.ge [sflag:s20], $0x800  }
0x2e: {  	[sflag:s20] =	ssyncset.done $0x0  }
0x2f: {  	s28 =	simm.s32 $0x0;
	[sflag:s20] =	ssyncadd.s32 $0xFFFFF800  }
0x30: {  	v0 =	vld [tilespmem:s28+$0x400];
	_ =	sdelay $0x1  }
0x31: {  	s30 =	sand.u32 $0x70, s1;
	s31 =	sand.u32 $0xE00, s1  }
0x32: {  	s3 =	sor.u32 s30, s31;
	s2 =	simm.s32 $0x40;
	s0 =	simm.s32 $0x10  }
.LBB2_2:
0x33: {  	s5 =	sshra.s32 s2, $0x2  }
0x34: {  	p0 =	sne.s32 s0, $0x3F0;
	[tilespmem:s3+$0xC00] =	vst v0;
	s3 =	smov.u32 s0;
	s0 =	sadd.s32 $0x10, s0  }
.Ltmp0:
0x35: {  	v0 =	vld [tilespmem:s5+$0x400];
	(pc) =	sbr.rel @p0 .LBB2_2-.Ltmp0, $3  }
0x36: {  	_ =	sdelay $0x1  }
0x37: {  	s3 =	sand.u32 $0x70, s3;
	s5 =	sand.u32 $0xE00, s2  }
0x38: {  	s2 =	sadd.s32 $0x40, s2;
	s3 =	sor.u32 s3, s5;
	s5 =	simm.s32 $0x0  }
0x39: {  	[tilespmem:s3+$0xC00] =	vst v0;
	s0 =	simm.s32 $0x0  }
0x3a: {  	v0 =	vld [tilespmem:s0+$0x400];
	_ =	sdelay $0x1  }
0x3b: {  	s2 =	sand.u32 $0x70, s5;
	s3 =	sand.u32 $0xE00, s5  }
0x3c: {  	s5 =	simm.s32 $0x10;
	s6 =	simm.s32 $0x40;
	s7 =	sor.u32 s2, s3  }
.LBB2_4:
0x3d: {  	s8 =	sshra.s32 s6, $0x2  }
0x3e: {  	p0 =	sne.s32 s5, $0x3F0;
	[tilespmem:s7+$0x1C00] =	vst v0;
	s7 =	smov.u32 s5;
	s5 =	sadd.s32 $0x10, s5  }
.Ltmp1:
0x3f: {  	v0 =	vld [tilespmem:s8+$0x400];
	(pc) =	sbr.rel @p0 .LBB2_4-.Ltmp1, $3  }
0x40: {  	_ =	sdelay $0x1  }
0x41: {  	s7 =	sand.u32 $0x70, s7;
	s8 =	sand.u32 $0xE00, s6  }
0x42: {  	s6 =	sadd.s32 $0x40, s6;
	s7 =	sor.u32 s7, s8  }
0x43: {  	[tilespmem:s7+$0x1C00] =	vst v0  }
0x44: {  	v0 =	vld [tilespmem:s0+$0x400];
	_ =	sdelay $0x2  }
0x45: {  	s5 =	simm.s32 $0x10;
	s2 =	sor.u32 s2, s3;
	s0 =	simm.s32 $0x40  }
.LBB2_6:
0x46: {  	s3 =	sshra.s32 s0, $0x2  }
0x47: {  	p0 =	sne.s32 s5, $0x3F0;
	[tilespmem:s2+$0xC80] =	vst v0;
	s2 =	smov.u32 s5;
	s5 =	sadd.s32 $0x10, s5  }
.Ltmp2:
0x48: {  	v0 =	vld [tilespmem:s3+$0x400];
	(pc) =	sbr.rel @p0 .LBB2_6-.Ltmp2, $3  }
0x49: {  	_ =	sdelay $0x1  }
0x4a: {  	s2 =	sand.u32 $0x70, s2;
	s3 =	sand.u32 $0xE00, s0  }
0x4b: {  	s0 =	sadd.s32 $0x40, s0;
	s2 =	sor.u32 s2, s3  }
0x4c: {  	s3 =	simm.s32 $0x400;
	s0 =	simm.s32 $0x0  }
0x4d: {  	s0 =	sand.u32 $0x70, s0;
	s3 =	sand.u32 $0x780, s3  }
0x4e: {  	[tilespmem:s2+$0xC80] =	vst v0;
	s3 =	sor.u32 s0, s3  }
0x4f: {  	s5 =	simm.s32 $0x1000;
	v0 =	vld [tilespmem:s3+$0x400]  }
0x50: {  	s2 =	simm.s32 $0x1040;
	s5 =	sand.u32 $0x1E00, s5;
	s3 =	simm.s32 $0x410  }
.LBB2_8:
0x51: {  	s6 =	sadd.s32 $0xFFFFFC00, s3;
	p0 =	sne.s32 s2, $0x1FC0  }
0x52: {  	s7 =	smov.u32 s2;
	s2 =	sadd.s32 $0x40, s2;
	s8 =	sand.u32 $0x780, s3  }
.Ltmp3:
0x53: {  	s5 =	sor.u32 s0, s5;
	s0 =	sand.u32 $0x70, s6;
	(pc) =	sbr.rel @p0 .LBB2_8-.Ltmp3, $3  }
0x54: {  	s6 =	sor.u32 s0, s8;
	[tilespmem:s5+$0xC80] =	vst v0  }
0x55: {  	v0 =	vld [tilespmem:s6+$0x400];
	_ =	sdelay $0x1  }
0x56: {  	s3 =	sadd.s32 $0x10, s3;
	s5 =	sand.u32 $0x1E00, s7  }
0x57: {  	_ = 	snop  }
0x58: {  	s0 =	sor.u32 s0, s5;
	s3 =	simm.s32 $0x0  }
0x59: {  	s6 =	sand.u32 $0x3F0, s3;
	[tilespmem:s0+$0xC80] =	vst v0  }
0x5a: {  	v0 =	vld [tilespmem:s6+$0x800];
	_ =	sdelay $0x1  }
0x5b: {  	s2 =	sand.u32 $0xE00, s3;
	s0 =	sand.u32 $0x70, s3  }
0x5c: {  	s5 =	simm.s32 $0x10;
	s6 =	sor.u32 s0, s2  }
.LBB2_10:
0x5d: {  	s7 =	sand.u32 $0x3F0, s5  }
0x5e: {  	p0 =	sne.s32 s5, $0x3F0;
	[tilespmem:s6+$0xD00] =	vst v0;
	s6 =	smov.u32 s5;
	s5 =	sadd.s32 $0x10, s5  }
.Ltmp4:
0x5f: {  	v0 =	vld [tilespmem:s7+$0x800];
	(pc) =	sbr.rel @p0 .LBB2_10-.Ltmp4, $4  }
0x60: {  	_ = 	snop  }
0x61: {  	s3 =	sadd.s32 $0x40, s3  }
0x62: {  	s6 =	sand.u32 $0x70, s6;
	s7 =	sand.u32 $0xE00, s3  }
0x63: {  	s6 =	sor.u32 s6, s7  }
0x64: {  	[tilespmem:s6+$0xD00] =	vst v0;
	s5 =	simm.s32 $0x0  }
0x65: {  	v0 =	vld [tilespmem:s5+$0x400];
	_ =	sdelay $0x2  }
0x66: {  	s3 =	simm.s32 $0x10;
	s2 =	sor.u32 s0, s2;
	s0 =	simm.s32 $0x40  }
.LBB2_12:
0x67: {  	s5 =	sshra.s32 s0, $0x2  }
0x68: {  	p0 =	sne.s32 s3, $0x3F0;
	[tilespmem:s2+$0x1D00] =	vst v0;
	s2 =	smov.u32 s3;
	s3 =	sadd.s32 $0x10, s3  }
.Ltmp5:
0x69: {  	v0 =	vld [tilespmem:s5+$0x400];
	(pc) =	sbr.rel @p0 .LBB2_12-.Ltmp5, $3  }
0x6a: {  	_ =	sdelay $0x1  }
0x6b: {  	s2 =	sand.u32 $0x70, s2;
	s5 =	sand.u32 $0xE00, s0  }
0x6c: {  	s0 =	sadd.s32 $0x40, s0;
	s2 =	sor.u32 s2, s5  }
0x6d: {  	s0 =	simm.s32 $0x0  }
0x6e: {  	[tilespmem:s2+$0x1D00] =	vst v0;
	s3 =	sand.u32 $0x3F0, s0  }
0x6f: {  	v0 =	vld [tilespmem:s3+$0x800];
	_ =	sdelay $0x1  }
0x70: {  	s5 =	sand.u32 $0x70, s0;
	s6 =	sand.u32 $0xE00, s0  }
0x71: {  	s2 =	simm.s32 $0x10;
	s3 =	sor.u32 s5, s6  }
.LBB2_14:
0x72: {  	s5 =	sand.u32 $0x3F0, s2  }
0x73: {  	p0 =	sne.s32 s2, $0x3F0;
	[tilespmem:s3+$0xD80] =	vst v0;
	s3 =	smov.u32 s2;
	s2 =	sadd.s32 $0x10, s2  }
.Ltmp6:
0x74: {  	v0 =	vld [tilespmem:s5+$0x800];
	(pc) =	sbr.rel @p0 .LBB2_14-.Ltmp6, $4  }
0x75: {  	_ = 	snop  }
0x76: {  	s0 =	sadd.s32 $0x40, s0  }
0x77: {  	s3 =	sand.u32 $0x70, s3;
	s5 =	sand.u32 $0xE00, s0  }
0x78: {  	s3 =	sor.u32 s3, s5  }
0x79: {  	s2 =	simm.s32 $0x400;
	s0 =	simm.s32 $0x0  }
0x7a: {  	s0 =	sand.u32 $0x70, s0;
	s2 =	sand.u32 $0x780, s2  }
0x7b: {  	[tilespmem:s3+$0xD80] =	vst v0;
	s5 =	sor.u32 s0, s2  }
0x7c: {  	s31 =	simm.s32 $0x1000;
	v0 =	vld [tilespmem:s5+$0x400]  }
0x7d: {  	s3 =	simm.s32 $0x410;
	s2 =	simm.s32 $0x1040;
	s5 =	sand.u32 $0x1E00, s31  }
.LBB2_16:
0x7e: {  	s6 =	sadd.s32 $0xFFFFFC00, s3;
	p0 =	sne.s32 s2, $0x1FC0  }
0x7f: {  	s7 =	smov.u32 s2;
	s2 =	sadd.s32 $0x40, s2;
	s8 =	sand.u32 $0x780, s3  }
.Ltmp7:
0x80: {  	s5 =	sor.u32 s0, s5;
	s0 =	sand.u32 $0x70, s6;
	(pc) =	sbr.rel @p0 .LBB2_16-.Ltmp7, $3  }
0x81: {  	s6 =	sor.u32 s0, s8;
	[tilespmem:s5+$0xD80] =	vst v0  }
0x82: {  	v0 =	vld [tilespmem:s6+$0x400];
	_ =	sdelay $0x1  }
0x83: {  	s3 =	sadd.s32 $0x10, s3;
	s5 =	sand.u32 $0x1E00, s7  }
0x84: {  	_ = 	snop  }
0x85: {  	s0 =	sor.u32 s0, s5  }
0x86: {  	s30 =	smov.u32 s15;
	s31 =	simm.s32 $0x0;
	[tilespmem:s0+$0xD80] =	vst v0;
	s0 =	simm.s32 $0x0  }
.LBB2_18:
0x87: {  	s2 =	simm.s32 $0x0  }
0x88: {  	s3 =	sadd.s32 $0x0, s31;
	s2 =	sld [smem:s31+s2]  }
0x89: {  	s3 =	sld [smem:s3+$0x1];
	_ =	sdelay $0x1  }
0x8a: {  	s2 =	sshll.u32 s2, $0x1  }
0x8b: {  	s2 =	sadd.s32 s3, s2  }
0x8c: {  	s3 =	sshll.u32 s2, $0xB;
	s2 =	sshll.u32 s2, $0x7  }
0x8d: {  	s3 =	sand.u32 $0xFFFFE000, s3;
	s2 =	sand.u32 $0x180, s2  }
0x8e: {  	s21 =	sor.u32 s2, s3  }
0x8f: {  	s2 =	sor.u32 $0xC00, s21  }
0x90: {  	[hbm4b:s30+s1] =	stream.linear.scatter [tilespmem:s2], [sflag:$0x1], $0x80, $0x38;
	[tilespmem:$0x2C00] =	vst v63  }
0x91: {  	s6 =	sadd.s32 $0x10, s30;
	s5 =	sor.u32 $0xE00, s21  }
0x92: {  	[hbm4b:s6+s1] =	stream.linear.scatter [tilespmem:s5], [sflag:$0x1], $0x80, $0x38;
	[tilespmem:$0x2C00] =	vst v63  }
0x93: {  	s8 =	sadd.s32 $0x20, s30;
	s10 =	sadd.s32 $0x30, s30;
	s7 =	sor.u32 $0x1000, s21  }
0x94: {  	[hbm4b:s8+s1] =	stream.linear.scatter [tilespmem:s7], [sflag:$0x1], $0x80, $0x38;
	[tilespmem:$0x2C00] =	vst v63  }
0x95: {  	s22 =	sadd.s32 $0x40, s30;
	s24 =	sadd.s32 $0x50, s30;
	s9 =	sor.u32 $0x1200, s21  }
0x96: {  	[hbm4b:s10+s1] =	stream.linear.scatter [tilespmem:s9], [sflag:$0x1], $0x80, $0x38;
	[tilespmem:$0x2C00] =	vst v63  }
0x97: {  	s28 =	sadd.s32 $0x70, s30;
	s3 =	sadd.s32 $0xE0, s30;
	s19 =	sor.u32 $0x1400, s21  }
0x98: {  	[hbm4b:s22+s1] =	stream.linear.scatter [tilespmem:s19], [sflag:$0x1], $0x80, $0x38;
	[tilespmem:$0x2C00] =	vst v63  }
0x99: {  	s23 =	sor.u32 $0x1600, s21;
	s25 =	sor.u32 $0x1800, s21;
	s26 =	sor.u32 $0x1A00, s21  }
0x9a: {  	[hbm4b:s24+s1] =	stream.linear.scatter [tilespmem:s23], [sflag:$0x1], $0x80, $0x38;
	[tilespmem:$0x2C00] =	vst v63  }
0x9b: {  	s2 =	sadd.s32 $0x100, s30;
	s5 =	sadd.s32 $0x60, s30;
	s6 =	sadd.s32 $0x80, s30  }
0x9c: {  	[hbm4b:s5+s1] =	stream.linear.scatter [tilespmem:s25], [sflag:$0x1], $0x80, $0x38;
	[tilespmem:$0x2C00] =	vst v63  }
0x9d: {  	s7 =	sor.u32 $0x1E00, s21;
	s8 =	sadd.s32 $0x90, s30;
	s9 =	sadd.s32 $0xA0, s30  }
0x9e: {  	[hbm4b:s28+s1] =	stream.linear.scatter [tilespmem:s26], [sflag:$0x1], $0x80, $0x38;
	[tilespmem:$0x2C00] =	vst v63  }
0x9f: {  	s10 =	sadd.s32 $0x2000, s21;
	s22 =	sadd.s32 $0xC0, s30;
	s5 =	sor.u32 $0x1C00, s21  }
0xa0: {  	[hbm4b:s6+s1] =	stream.linear.scatter [tilespmem:s5], [sflag:$0x1], $0x80, $0x38;
	[tilespmem:$0x2C00] =	vst v63  }
0xa1: {  	s19 =	sadd.s32 $0xC0, s2;
	s23 =	sadd.s32 $0xF0, s30;
	s24 =	simm.s32 $0x2  }
0xa2: {  	[hbm4b:s8+s1] =	stream.linear.scatter [tilespmem:s7], [sflag:$0x1], $0x80, $0x38;
	[tilespmem:$0x2C00] =	vst v63  }
0xa3: {  	s25 =	sadd.s32 $0x2400, s21;
	s26 =	simm.s32 $0x10;
	s28 =	sadd.s32 $0x2200, s21  }
0xa4: {  	[hbm4b:s9+s1] =	stream.linear.scatter [tilespmem:s10], [sflag:$0x1], $0x80, $0x38;
	[tilespmem:$0x2C00] =	vst v63  }
0xa5: {  	s6 =	sadd.s32 $0xB0, s30;
	s5 =	sld [smem:s31+s24];
	s7 =	sadd.s32 $0x2, s31  }
0xa6: {  	[hbm4b:s6+s1] =	stream.linear.scatter [tilespmem:s28], [sflag:$0x1], $0x80, $0x38;
	[tilespmem:$0x2C00] =	vst v63  }
0xa7: {  	s24 =	sadd.s32 $0x100, s2;
	s8 =	sld [smem:s7+$0x1];
	s6 =	sadd.s32 $0xD0, s30  }
.LBB2_19:
0xa8: {  	s9 =	sadd.s32 $0xC0, s24;
	s10 =	sshll.u32 s5, $0x1;
	s5 =	smov.u32 s26  }
0xa9: {  	s7 =	sadd.s32 $0x8, s26;
	s28 =	smov.u32 s2;
	s2 =	smov.u32 s24  }
0xaa: {  	[hbm4b:s22+s1] =	stream.linear.scatter [tilespmem:s25], [sflag:$0x1], $0x80, $0x38;
	[tilespmem:$0x2C00] =	vst v63  }
0xab: {  	p0 =	sne.s32 s26, $0xF8;
	s8 =	sadd.s32 s8, s10;
	s10 =	sadd.s32 $0x2600, s21  }
0xac: {  	[hbm4b:s6+s1] =	stream.linear.scatter [tilespmem:s10], [sflag:$0x1], $0x80, $0x38;
	[tilespmem:$0x2C00] =	vst v63  }
0xad: {  	s6 =	sshll.u32 s8, $0xB;
	s8 =	sshll.u32 s8, $0x7;
	s10 =	sadd.s32 $0x2800, s21  }
0xae: {  	s25 =	sadd.s32 $0x2A00, s21;
	s6 =	sand.u32 $0xFFFFE000, s6;
	s8 =	sand.u32 $0x180, s8  }
0xaf: {  	[hbm4b:s3+s1] =	stream.linear.scatter [tilespmem:s10], [sflag:$0x1], $0x80, $0x38;
	[tilespmem:$0x2C00] =	vst v63  }
0xb0: {  	s22 =	smov.u32 s19;
	s19 =	smov.u32 s9;
	s21 =	sor.u32 s8, s6  }
0xb1: {  	[hbm4b:s23+s1] =	stream.linear.scatter [tilespmem:s25], [sflag:$0x1], $0x80, $0x38;
	[tilespmem:$0x2C00] =	vst v63  }
0xb2: {  	s3 =	sor.u32 $0xC00, s21;
	s25 =	sadd.s32 $0x2400, s21  }
0xb3: {  	[hbm4b:s28+s1] =	stream.linear.scatter [tilespmem:s3], [sflag:$0x1], $0x80, $0x38;
	[tilespmem:$0x2C00] =	vst v63  }
0xb4: {  	s6 =	sadd.s32 $0x10, s28;
	s3 =	sor.u32 $0xE00, s21  }
0xb5: {  	[hbm4b:s6+s1] =	stream.linear.scatter [tilespmem:s3], [sflag:$0x1], $0x80, $0x38;
	[tilespmem:$0x2C00] =	vst v63  }
0xb6: {  	s3 =	sor.u32 $0x1000, s21;
	s6 =	sadd.s32 $0x20, s28  }
0xb7: {  	[hbm4b:s6+s1] =	stream.linear.scatter [tilespmem:s3], [sflag:$0x1], $0x80, $0x38;
	[tilespmem:$0x2C00] =	vst v63  }
0xb8: {  	s3 =	sor.u32 $0x1200, s21;
	s6 =	sadd.s32 $0x30, s28  }
0xb9: {  	[hbm4b:s6+s1] =	stream.linear.scatter [tilespmem:s3], [sflag:$0x1], $0x80, $0x38;
	[tilespmem:$0x2C00] =	vst v63  }
0xba: {  	s23 =	sadd.s32 $0xF0, s28;
	s3 =	sor.u32 $0x1400, s21;
	s6 =	sadd.s32 $0x40, s28  }
0xbb: {  	[hbm4b:s6+s1] =	stream.linear.scatter [tilespmem:s3], [sflag:$0x1], $0x80, $0x38;
	[tilespmem:$0x2C00] =	vst v63  }
0xbc: {  	s8 =	sadd.s32 $0x50, s28;
	s6 =	sor.u32 $0x1600, s21;
	s3 =	sadd.s32 $0xE0, s28  }
0xbd: {  	[hbm4b:s8+s1] =	stream.linear.scatter [tilespmem:s6], [sflag:$0x1], $0x80, $0x38;
	[tilespmem:$0x2C00] =	vst v63  }
0xbe: {  	s9 =	sadd.s32 $0x60, s28;
	s8 =	sor.u32 $0x1800, s21;
	s6 =	sadd.s32 $0xD0, s28  }
0xbf: {  	[hbm4b:s9+s1] =	stream.linear.scatter [tilespmem:s8], [sflag:$0x1], $0x80, $0x38;
	[tilespmem:$0x2C00] =	vst v63  }
0xc0: {  	s24 =	sadd.s32 $0x100, s24;
	s8 =	sor.u32 $0x1A00, s21;
	s9 =	sadd.s32 $0x70, s28  }
0xc1: {  	[hbm4b:s9+s1] =	stream.linear.scatter [tilespmem:s8], [sflag:$0x1], $0x80, $0x38;
	[tilespmem:$0x2C00] =	vst v63  }
0xc2: {  	s10 =	sadd.s32 $0xA0, s28;
	s8 =	sor.u32 $0x1C00, s21;
	s9 =	sadd.s32 $0x80, s28  }
0xc3: {  	[hbm4b:s9+s1] =	stream.linear.scatter [tilespmem:s8], [sflag:$0x1], $0x80, $0x38;
	[tilespmem:$0x2C00] =	vst v63  }
0xc4: {  	s5 =	sshra.s32 s5, $0x2;
	s8 =	sor.u32 $0x1E00, s21;
	s9 =	sadd.s32 $0x90, s28  }
0xc5: {  	[hbm4b:s9+s1] =	stream.linear.scatter [tilespmem:s8], [sflag:$0x1], $0x80, $0x38;
	[tilespmem:$0x2C00] =	vst v63  }
.Ltmp8:
0xc6: {  	s26 =	smov.u32 s7;
	(pc) =	sbr.rel @p0 .LBB2_19-.Ltmp8, $4  }
0xc7: {  	s8 =	sadd.s32 s5, s31;
	s9 =	sadd.s32 $0x2000, s21;
	s5 =	sld [smem:s31+s5]  }
0xc8: {  	[hbm4b:s10+s1] =	stream.linear.scatter [tilespmem:s9], [sflag:$0x1], $0x80, $0x38;
	[tilespmem:$0x2C00] =	vst v63  }
0xc9: {  	s9 =	sadd.s32 $0x2200, s21;
	s10 =	sadd.s32 $0xB0, s28;
	s8 =	sld [smem:s8+$0x1]  }
0xca: {  	[hbm4b:s10+s1] =	stream.linear.scatter [tilespmem:s9], [sflag:$0x1], $0x80, $0x38;
	[tilespmem:$0x2C00] =	vst v63  }
0xcb: {  	s5 =	sshll.u32 s5, $0x1  }
0xcc: {  	[hbm4b:s22+s1] =	stream.linear.scatter [tilespmem:s25], [sflag:$0x1], $0x80, $0x38;
	[tilespmem:$0x2C00] =	vst v63  }
0xcd: {  	s7 =	sadd.s32 $0x2600, s21;
	s5 =	sadd.s32 s8, s5  }
0xce: {  	[hbm4b:s6+s1] =	stream.linear.scatter [tilespmem:s7], [sflag:$0x1], $0x80, $0x38;
	[tilespmem:$0x2C00] =	vst v63  }
0xcf: {  	s8 =	sshll.u32 s5, $0xB;
	s5 =	sshll.u32 s5, $0x7  }
0xd0: {  	s9 =	sadd.s32 $0x2800, s21;
	s6 =	sand.u32 $0xFFFFE000, s8;
	s5 =	sand.u32 $0x180, s5  }
0xd1: {  	[hbm4b:s3+s1] =	stream.linear.scatter [tilespmem:s9], [sflag:$0x1], $0x80, $0x38;
	[tilespmem:$0x2C00] =	vst v63  }
0xd2: {  	s10 =	sadd.s32 $0x2A00, s21;
	s5 =	sor.u32 s5, s6  }
0xd3: {  	[hbm4b:s23+s1] =	stream.linear.scatter [tilespmem:s10], [sflag:$0x1], $0x80, $0x38;
	[tilespmem:$0x2C00] =	vst v63  }
0xd4: {  	s21 =	sor.u32 $0xC00, s5  }
0xd5: {  	[hbm4b:s2+s1] =	stream.linear.scatter [tilespmem:s21], [sflag:$0x1], $0x80, $0x38;
	[tilespmem:$0x2C00] =	vst v63  }
0xd6: {  	s22 =	sor.u32 $0xE00, s5;
	s23 =	sadd.s32 $0x10, s2  }
0xd7: {  	[hbm4b:s23+s1] =	stream.linear.scatter [tilespmem:s22], [sflag:$0x1], $0x80, $0x38;
	[tilespmem:$0x2C00] =	vst v63  }
0xd8: {  	s25 =	sadd.s32 $0x20, s2;
	s24 =	sor.u32 $0x1000, s5  }
0xd9: {  	[hbm4b:s25+s1] =	stream.linear.scatter [tilespmem:s24], [sflag:$0x1], $0x80, $0x38;
	[tilespmem:$0x2C00] =	vst v63  }
0xda: {  	s28 =	sadd.s32 $0x30, s2;
	s26 =	sor.u32 $0x1200, s5  }
0xdb: {  	[hbm4b:s28+s1] =	stream.linear.scatter [tilespmem:s26], [sflag:$0x1], $0x80, $0x38;
	[tilespmem:$0x2C00] =	vst v63  }
0xdc: {  	s7 =	sadd.s32 $0x40, s2;
	s6 =	sor.u32 $0x1400, s5  }
0xdd: {  	[hbm4b:s7+s1] =	stream.linear.scatter [tilespmem:s6], [sflag:$0x1], $0x80, $0x38;
	[tilespmem:$0x2C00] =	vst v63  }
0xde: {  	s9 =	sadd.s32 $0x50, s2;
	s8 =	sor.u32 $0x1600, s5  }
0xdf: {  	[hbm4b:s9+s1] =	stream.linear.scatter [tilespmem:s8], [sflag:$0x1], $0x80, $0x38;
	[tilespmem:$0x2C00] =	vst v63  }
0xe0: {  	s10 =	sor.u32 $0x1800, s5;
	s21 =	sadd.s32 $0x60, s2  }
0xe1: {  	[hbm4b:s21+s1] =	stream.linear.scatter [tilespmem:s10], [sflag:$0x1], $0x80, $0x38;
	[tilespmem:$0x2C00] =	vst v63  }
0xe2: {  	s22 =	sor.u32 $0x1A00, s5;
	s23 =	sadd.s32 $0x70, s2  }
0xe3: {  	[hbm4b:s23+s1] =	stream.linear.scatter [tilespmem:s22], [sflag:$0x1], $0x80, $0x38;
	[tilespmem:$0x2C00] =	vst v63  }
0xe4: {  	s24 =	sor.u32 $0x1C00, s5;
	s25 =	sadd.s32 $0x80, s2  }
0xe5: {  	[hbm4b:s25+s1] =	stream.linear.scatter [tilespmem:s24], [sflag:$0x1], $0x80, $0x38;
	[tilespmem:$0x2C00] =	vst v63  }
0xe6: {  	s26 =	sor.u32 $0x1E00, s5;
	s28 =	sadd.s32 $0x90, s2  }
0xe7: {  	[hbm4b:s28+s1] =	stream.linear.scatter [tilespmem:s26], [sflag:$0x1], $0x80, $0x38;
	[tilespmem:$0x2C00] =	vst v63  }
0xe8: {  	s7 =	sadd.s32 $0xA0, s2;
	s8 =	sadd.s32 $0x2000, s5  }
0xe9: {  	[hbm4b:s7+s1] =	stream.linear.scatter [tilespmem:s8], [sflag:$0x1], $0x80, $0x38;
	[tilespmem:$0x2C00] =	vst v63  }
0xea: {  	s9 =	sadd.s32 $0x2200, s5;
	s10 =	sadd.s32 $0xB0, s2  }
0xeb: {  	[hbm4b:s10+s1] =	stream.linear.scatter [tilespmem:s9], [sflag:$0x1], $0x80, $0x38;
	[tilespmem:$0x2C00] =	vst v63  }
0xec: {  	p0 =	seq.s32 s0, $0x0;
	s0 =	sadd.s32 $0x1, s0;
	s21 =	sadd.s32 $0x2400, s5  }
0xed: {  	[hbm4b:s19+s1] =	stream.linear.scatter [tilespmem:s21], [sflag:$0x1], $0x80, $0x38;
	[tilespmem:$0x2C00] =	vst v63  }
0xee: {  	p1 =	sne.s32 s0, $0x10;
	s22 =	sadd.s32 $0xD0, s2;
	s23 =	sadd.s32 $0x2600, s5  }
0xef: {  	[hbm4b:s22+s1] =	stream.linear.scatter [tilespmem:s23], [sflag:$0x1], $0x80, $0x38;
	[tilespmem:$0x2C00] =	vst v63  }
0xf0: {  	s24 =	sadd.s32 $0xE0, s2;
	s25 =	sadd.s32 $0x2800, s5;
	s26 =	sadd.s32 $0xF0, s2  }
0xf1: {  	[hbm4b:s24+s1] =	stream.linear.scatter [tilespmem:s25], [sflag:$0x1], $0x80, $0x38;
	[tilespmem:$0x2C00] =	vst v63  }
.Ltmp9:
0xf2: {  	s28 =	sadd.s32 $0x2A00, s5;
	s2 =	simm.s32 @!p0 $0x1;
	(pc) =	sbr.rel @p1 .LBB2_18-.Ltmp9, $4  }
0xf3: {  	[hbm4b:s26+s1] =	stream.linear.scatter [tilespmem:s28], [sflag:$0x1], $0x80, $0x38;
	[tilespmem:$0x2C00] =	vst v63  }
0xf4: {  	_ =	swait.ge @!p0 [sflag:s2], $0x2000  }
0xf5: {  	[sflag:s2] =	ssyncset.done @!p0 $0x0  }
0xf6: {  	s31 =	sadd.s32 $0x40, s31;
	s30 =	sadd.s32 $0x2000, s30;
	[sflag:s2] =	ssyncadd.s32 @!p0 $0xFFFFE000  }
0xf7: {  	_ =	swait.ge [sflag:s17], $0x2000  }
0xf8: {  	s29 =	sadd.s32 $0x1, s29;
	s0 =	rddreg [dreg:$0x7]  }
0xf9: {  	p0 =	sne.s32 s29, s0  }
.Ltmp10:
0xfa: {  	_ = 	snop;
	(pc) =	sbr.rel @p0 .LBB2_1-.Ltmp10, $3  }
0xfb: {  	_ =	sdelay $0x1  }
0xfc: {  	[sflag:s17] =	ssyncset.done $0x0  }
0xfd: {  	[sflag:s17] =	ssyncadd.s32 $0xFFFFE000  }
0xfe: {  	_ =	sfence.sel $0x180000  }
0xff: {  	[bflag:$0x0] =	sbarrier.arrive $0xFFFF  }
0x100: {  	_ =	strace $0x90000047  }
0x101: {  	s0 =	stileid.u32;
	[bflag:$0x2] =	sbarrier.arrive $0xFFFF  }
0x102: {  	p0 =	sne.s32 s0, $0x0;
	s0 =	rddreg [dreg:$0x3]  }
0x103: {  	s0 =	sadd.s32 @!p0 $0x100000, s0  }
0x104: {  	[sflag:s0] =	ssyncadd.tile.s32 @!p0 $0x1;
	_ =	shalt  }
.Lfunc_end2:
_tile_overlayer_lowered:
.L_overlay_start_2:
0x105: {  	(tag) =	ssettag $0x2  }
0x106: {  	s0 =	rddreg [dreg:$0x0];
	s2 =	stileid.u32  }
0x107: {  	s1 =	rddreg [dreg:$0x1];
	p0 =	sne.s32 s2, $0x0  }
0x108: {  	s3 =	rddreg [dreg:$0x2];
	[bflag:$0x3] =	sbarrier.arrive $0xFFFF;
	s2 =	simm.s32 @!p0 $0x1C02  }
0x109: {  	[timem:s3], [sflag:s2] =	dma.local @!p0 [hbm:s0], s1  }
0x10a: {  	s0 =	simm.s32 @!p0 $0x2  }
0x10b: {  	_ =	swait.ge @!p0 [sflag:s0], s1  }
0x10c: {  	s1 =	ssub.s32 @!p0 $0x0, s1;
	[sflag:s0] =	ssyncset.done @!p0 $0x0  }
0x10d: {  	[sflag:s0] =	ssyncadd.s32 @!p0 s1  }
0x10e: {  	[bflag:$0x3] =	sbarrier.arrive $0xFFFF  }
0x10f: {  	_ =	shalt  }

</sc_bundles>
